<compile_context>
chip_gen: v7x
topology: tpu7x:2x2x1
jax: 0.10.2.dev20260603
libtpu: 0.0.44.dev20260713+nightly
codegen_flags: <defaults>
</compile_context>

<pallas_src>
import functools

import jax
import jax.numpy as jnp
from jax import lax
from jax.experimental import pallas as pl
from jax.experimental.pallas import tpu as pltpu
from jax.experimental.pallas import tpu_sc as plsc

NUM_CENTERS = 65536
DIM = 128
NUM_DOCS = 1000000
BATCH = 4096


@functools.lru_cache(maxsize=None)
def _build():
    info = plsc.get_sparse_core_info()
    num_cores, num_subcores = info.num_cores, info.num_subcores
    num_workers = num_cores * num_subcores
    b_per_w = BATCH // num_workers

    mesh = plsc.VectorSubcoreMesh(core_axis_name="c", subcore_axis_name="s")

    n_chunks = 2
    cs = b_per_w // n_chunks

    @functools.partial(
        pl.kernel,
        mesh=mesh,
        out_type=jax.ShapeDtypeStruct((BATCH, DIM), jnp.float32),
        scratch_types=[
            pltpu.VMEM((b_per_w,), jnp.int32),
            pltpu.VMEM((b_per_w,), jnp.int32),
            pltpu.VMEM((b_per_w, DIM), jnp.float32),
            pltpu.SemaphoreType.DMA,
            pltpu.SemaphoreType.DMA,
            pltpu.SemaphoreType.DMA,
        ],
    )
    def sc_kernel(center_hbm, id2c_hbm, docid_hbm, out_hbm,
                  docid_v, cid_v, rows_v, sem_c, sem_r, sem_w):
        wid = lax.axis_index("s") * num_cores + lax.axis_index("c")
        base = wid * b_per_w
        pltpu.sync_copy(docid_hbm.at[pl.ds(base, b_per_w)], docid_v)
        row_d = [None] * n_chunks
        out_d = [None] * n_chunks
        pltpu.async_copy(id2c_hbm.at[docid_v], cid_v, sem_c).wait()
        for k in range(n_chunks):
            row_d[k] = pltpu.async_copy(
                center_hbm.at[cid_v.at[pl.ds(k * cs, cs)]],
                rows_v.at[pl.ds(k * cs, cs)], sem_r)
        for k in range(n_chunks):
            row_d[k].wait()
            out_d[k] = pltpu.async_copy(
                rows_v.at[pl.ds(k * cs, cs)],
                out_hbm.at[pl.ds(base + k * cs, cs)], sem_w)
        for k in range(n_chunks):
            out_d[k].wait()

    return sc_kernel


def kernel(center_vecs, id2center, doc_ids):
    return _build()(center_vecs, id2center, doc_ids)

# --- scband reference (transcript-rebuilt; emitter-appended) ---
"""Pipeline reference for scband-ivfcpu-69466801045851 (READ-ONLY COPY).

The authoritative reference and input builder live on the scoring server;
editing this copy changes nothing except your own understanding.
"""

import jax, jax.numpy as jnp
import numpy as np

NUM_CENTERS = 65536
DIM = 128
NUM_DOCS = 1000000
BATCH = 4096

def setup_inputs(seed: int = 0) -> dict:
    key = jax.random.key(seed)
    k1, k2, k3 = jax.random.split(key, 3)
    center_vecs = jax.random.normal(k1, (NUM_CENTERS, DIM), dtype=jnp.float32)
    id2center = jax.random.randint(k2, (NUM_DOCS,), 0, NUM_CENTERS, dtype=jnp.int64 if jax.config.jax_enable_x64 else jnp.int32).astype(jnp.int32)
    doc_ids = jax.random.randint(k3, (BATCH,), 0, NUM_DOCS, dtype=jnp.int32)
    return {"center_vecs": center_vecs, "id2center": id2center, "doc_ids": doc_ids}

def reference(center_vecs, id2center, doc_ids):
    # IVFCPU.select_centers (world_size=1):
    #   dc_ids = [id2center[i] for i in doc_ids]
    #   batch_cids = sorted(set(dc_ids)); cid2bid remap; set_batch_centers gathers
    #   center_vecs[batch_cids]; then index_select by remapped ids.
    # The dedup + remap + double gather composes to a single gather:
    #   dc_emb[b] = center_vecs[id2center[doc_ids[b]]]
    dc_ids = jnp.take(id2center, doc_ids, axis=0)
    dc_emb = jnp.take(center_vecs, dc_ids, axis=0)
    return dc_emb

if __name__ == "__main__":
    import jax
    _d = setup_inputs()
    print(jax.jit(kernel)(*tuple(_d.values())))

</pallas_src>

<mosaic_0001>
#map = affine_map<(d0, d1) -> (0, 0)>
#map1 = affine_map<(d0, d1) -> (0)>
module attributes {stable_mosaic.version = 14 : i64} {
  func.func @sc_kernel(%arg0: i32, %arg1: i32, %arg2: memref<65536x128xf32, #tpu.memory_space<hbm>>, %arg3: memref<1000000xi32, #tpu.memory_space<hbm>>, %arg4: memref<4096xi32, #tpu.memory_space<hbm>>, %arg5: memref<4096x128xf32, #tpu.memory_space<hbm>>, %arg6: memref<128xi32, #tpu.memory_space<vmem>>, %arg7: memref<128xi32, #tpu.memory_space<vmem>>, %arg8: memref<128x128xf32, #tpu.memory_space<vmem>>, %arg9: memref<!tpu.dma_semaphore, #tpu.memory_space<semaphore_mem>>, %arg10: memref<!tpu.dma_semaphore, #tpu.memory_space<semaphore_mem>>, %arg11: memref<!tpu.dma_semaphore, #tpu.memory_space<semaphore_mem>>) attributes {dimension_semantics = [#tpu.dimension_semantics<core_parallel>, #tpu.dimension_semantics<subcore_parallel>], iteration_bounds = array<i64: 2, 16>, scalar_prefetch = 0 : i64, scratch_operands = 6 : i64, tpu.core_type = #tpu.core_type<sc_vector_subcore>, window_params = [{transform_indices = #map}, {transform_indices = #map1}, {transform_indices = #map1}, {transform_indices = #map}]} {
    %mul3A = arith.constant 2 : i32
    %mul3A_0 = arith.muli %arg1, %mul3A : i32
    %add3A = arith.addi %mul3A_0, %arg0 : i32
    %mul3A_1 = arith.constant 128 : i32
    %mul3A_2 = arith.muli %add3A, %mul3A_1 : i32
    "tpu.region"() ({
      %run_scoped3A = tpu.sem_alloc : memref<!tpu.dma_semaphore, #tpu.memory_space<semaphore_mem>>
      %dma_start3A_81 = tpu.memref_slice %arg4[%mul3A_2] : memref<4096xi32, #tpu.memory_space<hbm>> -> memref<128xi32, #tpu.memory_space<hbm>>
      %dma_start3A_82 = tpu.memref_slice %arg4[%mul3A_2] : memref<4096xi32, #tpu.memory_space<hbm>> -> memref<128xi32, #tpu.memory_space<hbm>>
      tpu.enqueue_dma source(%dma_start3A_82 : memref<128xi32, #tpu.memory_space<hbm>>) target(%arg6 : memref<128xi32, #tpu.memory_space<vmem>>) target_semaphore(%run_scoped3A : memref<!tpu.dma_semaphore, #tpu.memory_space<semaphore_mem>>)
      %dma_wait3A_83 = tpu.memref_slice %arg4[%mul3A_2] : memref<4096xi32, #tpu.memory_space<hbm>> -> memref<128xi32, #tpu.memory_space<hbm>>
      %dma_wait3A_84 = tpu.memref_slice %arg4[%mul3A_2] : memref<4096xi32, #tpu.memory_space<hbm>> -> memref<128xi32, #tpu.memory_space<hbm>>
      tpu.wait_dma2 semaphore(%run_scoped3A : memref<!tpu.dma_semaphore, #tpu.memory_space<semaphore_mem>>) src(%dma_wait3A_84 : memref<128xi32, #tpu.memory_space<hbm>>) dst(%arg6 : memref<128xi32, #tpu.memory_space<vmem>>)
      tpu.yield
    }) : () -> ()
    %dma_start3A = arith.constant 0 : i32
    %dma_start3A_3 = tpu.memref_slice %arg3[%dma_start3A] : memref<1000000xi32, #tpu.memory_space<hbm>> -> memref<1000000xi32, #tpu.memory_space<hbm>>
    tpu.enqueue_indirect_dma source(%dma_start3A_3 : memref<1000000xi32, #tpu.memory_space<hbm>>) target(%arg7 : memref<128xi32, #tpu.memory_space<vmem>>) offsets(%arg6 : memref<128xi32, #tpu.memory_space<vmem>>) semaphore(%arg9 : memref<!tpu.dma_semaphore, #tpu.memory_space<semaphore_mem>>)
    %dma_wait3A = arith.constant 0 : i32
    %dma_wait3A_4 = tpu.memref_slice %arg3[%dma_wait3A] : memref<1000000xi32, #tpu.memory_space<hbm>> -> memref<1000000xi32, #tpu.memory_space<hbm>>
    tpu.wait_indirect_dma semaphore(%arg9 : memref<!tpu.dma_semaphore, #tpu.memory_space<semaphore_mem>>) src(%dma_wait3A_4 : memref<1000000xi32, #tpu.memory_space<hbm>>) dst(%arg7 : memref<128xi32, #tpu.memory_space<vmem>>)
    %dma_start3A_5 = arith.constant 0 : i32
    %dma_start3A_6 = arith.constant 0 : i32
    %dma_start3A_7 = tpu.memref_slice %arg8[%dma_start3A_5, %dma_start3A_6] : memref<128x128xf32, #tpu.memory_space<vmem>> -> memref<64x128xf32, #tpu.memory_space<vmem>>
    %dma_start3A_8 = arith.constant 0 : i32
    %dma_start3A_9 = tpu.memref_slice %arg7[%dma_start3A_8] : memref<128xi32, #tpu.memory_space<vmem>> -> memref<64xi32, #tpu.memory_space<vmem>>
    %dma_start3A_10 = arith.constant 0 : i32
    %dma_start3A_11 = arith.constant 0 : i32
    %dma_start3A_12 = tpu.memref_slice %arg2[%dma_start3A_10, %dma_start3A_11] : memref<65536x128xf32, #tpu.memory_space<hbm>> -> memref<65536x128xf32, #tpu.memory_space<hbm>>
    tpu.enqueue_indirect_dma source(%dma_start3A_12 : memref<65536x128xf32, #tpu.memory_space<hbm>>) target(%dma_start3A_7 : memref<64x128xf32, #tpu.memory_space<vmem>>) offsets(%dma_start3A_9 : memref<64xi32, #tpu.memory_space<vmem>>) semaphore(%arg10 : memref<!tpu.dma_semaphore, #tpu.memory_space<semaphore_mem>>)
    %dma_start3A_13 = arith.constant 64 : i32
    %dma_start3A_14 = arith.constant 0 : i32
    %dma_start3A_15 = tpu.memref_slice %arg8[%dma_start3A_13, %dma_start3A_14] : memref<128x128xf32, #tpu.memory_space<vmem>> -> memref<64x128xf32, #tpu.memory_space<vmem>>
    %dma_start3A_16 = arith.constant 64 : i32
    %dma_start3A_17 = tpu.memref_slice %arg7[%dma_start3A_16] : memref<128xi32, #tpu.memory_space<vmem>> -> memref<64xi32, #tpu.memory_space<vmem>>
    %dma_start3A_18 = arith.constant 0 : i32
    %dma_start3A_19 = arith.constant 0 : i32
    %dma_start3A_20 = tpu.memref_slice %arg2[%dma_start3A_18, %dma_start3A_19] : memref<65536x128xf32, #tpu.memory_space<hbm>> -> memref<65536x128xf32, #tpu.memory_space<hbm>>
    tpu.enqueue_indirect_dma source(%dma_start3A_20 : memref<65536x128xf32, #tpu.memory_space<hbm>>) target(%dma_start3A_15 : memref<64x128xf32, #tpu.memory_space<vmem>>) offsets(%dma_start3A_17 : memref<64xi32, #tpu.memory_space<vmem>>) semaphore(%arg10 : memref<!tpu.dma_semaphore, #tpu.memory_space<semaphore_mem>>)
    %dma_wait3A_21 = arith.constant 0 : i32
    %dma_wait3A_22 = arith.constant 0 : i32
    %dma_wait3A_23 = tpu.memref_slice %arg8[%dma_wait3A_21, %dma_wait3A_22] : memref<128x128xf32, #tpu.memory_space<vmem>> -> memref<64x128xf32, #tpu.memory_space<vmem>>
    %dma_wait3A_24 = arith.constant 0 : i32
    %dma_wait3A_25 = tpu.memref_slice %arg7[%dma_wait3A_24] : memref<128xi32, #tpu.memory_space<vmem>> -> memref<64xi32, #tpu.memory_space<vmem>>
    %dma_wait3A_26 = arith.constant 0 : i32
    %dma_wait3A_27 = arith.constant 0 : i32
    %dma_wait3A_28 = tpu.memref_slice %arg2[%dma_wait3A_26, %dma_wait3A_27] : memref<65536x128xf32, #tpu.memory_space<hbm>> -> memref<65536x128xf32, #tpu.memory_space<hbm>>
    tpu.wait_indirect_dma semaphore(%arg10 : memref<!tpu.dma_semaphore, #tpu.memory_space<semaphore_mem>>) src(%dma_wait3A_28 : memref<65536x128xf32, #tpu.memory_space<hbm>>) dst(%dma_wait3A_23 : memref<64x128xf32, #tpu.memory_space<vmem>>)
    %add3A_29 = arith.constant 0 : i32
    %add3A_30 = arith.addi %mul3A_2, %add3A_29 : i32
    %dma_start3A_31 = arith.constant 0 : i32
    %dma_start3A_32 = arith.constant 0 : i32
    %dma_start3A_33 = tpu.memref_slice %arg8[%dma_start3A_31, %dma_start3A_32] : memref<128x128xf32, #tpu.memory_space<vmem>> -> memref<64x128xf32, #tpu.memory_space<vmem>>
    %dma_start3A_34 = arith.constant 0 : i32
    %dma_start3A_35 = tpu.memref_slice %arg5[%add3A_30, %dma_start3A_34] : memref<4096x128xf32, #tpu.memory_space<hbm>> -> memref<64x128xf32, #tpu.memory_space<hbm>>
    %dma_start3A_36 = arith.constant 0 : i32
    %dma_start3A_37 = tpu.memref_slice %arg5[%add3A_30, %dma_start3A_36] : memref<4096x128xf32, #tpu.memory_space<hbm>> -> memref<64x128xf32, #tpu.memory_space<hbm>>
    %dma_start3A_38 = arith.constant 0 : i32
    %dma_start3A_39 = arith.constant 0 : i32
    %dma_start3A_40 = tpu.memref_slice %arg8[%dma_start3A_38, %dma_start3A_39] : memref<128x128xf32, #tpu.memory_space<vmem>> -> memref<64x128xf32, #tpu.memory_space<vmem>>
    tpu.enqueue_dma source(%dma_start3A_40 : memref<64x128xf32, #tpu.memory_space<vmem>>) target(%dma_start3A_37 : memref<64x128xf32, #tpu.memory_space<hbm>>) target_semaphore(%arg11 : memref<!tpu.dma_semaphore, #tpu.memory_space<semaphore_mem>>)
    %dma_wait3A_41 = arith.constant 64 : i32
    %dma_wait3A_42 = arith.constant 0 : i32
    %dma_wait3A_43 = tpu.memref_slice %arg8[%dma_wait3A_41, %dma_wait3A_42] : memref<128x128xf32, #tpu.memory_space<vmem>> -> memref<64x128xf32, #tpu.memory_space<vmem>>
    %dma_wait3A_44 = arith.constant 64 : i32
    %dma_wait3A_45 = tpu.memref_slice %arg7[%dma_wait3A_44] : memref<128xi32, #tpu.memory_space<vmem>> -> memref<64xi32, #tpu.memory_space<vmem>>
    %dma_wait3A_46 = arith.constant 0 : i32
    %dma_wait3A_47 = arith.constant 0 : i32
    %dma_wait3A_48 = tpu.memref_slice %arg2[%dma_wait3A_46, %dma_wait3A_47] : memref<65536x128xf32, #tpu.memory_space<hbm>> -> memref<65536x128xf32, #tpu.memory_space<hbm>>
    tpu.wait_indirect_dma semaphore(%arg10 : memref<!tpu.dma_semaphore, #tpu.memory_space<semaphore_mem>>) src(%dma_wait3A_48 : memref<65536x128xf32, #tpu.memory_space<hbm>>) dst(%dma_wait3A_43 : memref<64x128xf32, #tpu.memory_space<vmem>>)
    %add3A_49 = arith.constant 64 : i32
    %add3A_50 = arith.addi %mul3A_2, %add3A_49 : i32
    %dma_start3A_51 = arith.constant 64 : i32
    %dma_start3A_52 = arith.constant 0 : i32
    %dma_start3A_53 = tpu.memref_slice %arg8[%dma_start3A_51, %dma_start3A_52] : memref<128x128xf32, #tpu.memory_space<vmem>> -> memref<64x128xf32, #tpu.memory_space<vmem>>
    %dma_start3A_54 = arith.constant 0 : i32
    %dma_start3A_55 = tpu.memref_slice %arg5[%add3A_50, %dma_start3A_54] : memref<4096x128xf32, #tpu.memory_space<hbm>> -> memref<64x128xf32, #tpu.memory_space<hbm>>
    %dma_start3A_56 = arith.constant 0 : i32
    %dma_start3A_57 = tpu.memref_slice %arg5[%add3A_50, %dma_start3A_56] : memref<4096x128xf32, #tpu.memory_space<hbm>> -> memref<64x128xf32, #tpu.memory_space<hbm>>
    %dma_start3A_58 = arith.constant 64 : i32
    %dma_start3A_59 = arith.constant 0 : i32
    %dma_start3A_60 = tpu.memref_slice %arg8[%dma_start3A_58, %dma_start3A_59] : memref<128x128xf32, #tpu.memory_space<vmem>> -> memref<64x128xf32, #tpu.memory_space<vmem>>
    tpu.enqueue_dma source(%dma_start3A_60 : memref<64x128xf32, #tpu.memory_space<vmem>>) target(%dma_start3A_57 : memref<64x128xf32, #tpu.memory_space<hbm>>) target_semaphore(%arg11 : memref<!tpu.dma_semaphore, #tpu.memory_space<semaphore_mem>>)
    %dma_wait3A_61 = arith.constant 0 : i32
    %dma_wait3A_62 = arith.constant 0 : i32
    %dma_wait3A_63 = tpu.memref_slice %arg8[%dma_wait3A_61, %dma_wait3A_62] : memref<128x128xf32, #tpu.memory_space<vmem>> -> memref<64x128xf32, #tpu.memory_space<vmem>>
    %dma_wait3A_64 = arith.constant 0 : i32
    %dma_wait3A_65 = tpu.memref_slice %arg5[%add3A_30, %dma_wait3A_64] : memref<4096x128xf32, #tpu.memory_space<hbm>> -> memref<64x128xf32, #tpu.memory_space<hbm>>
    %dma_wait3A_66 = arith.constant 0 : i32
    %dma_wait3A_67 = tpu.memref_slice %arg5[%add3A_30, %dma_wait3A_66] : memref<4096x128xf32, #tpu.memory_space<hbm>> -> memref<64x128xf32, #tpu.memory_space<hbm>>
    %dma_wait3A_68 = arith.constant 0 : i32
    %dma_wait3A_69 = arith.constant 0 : i32
    %dma_wait3A_70 = tpu.memref_slice %arg8[%dma_wait3A_68, %dma_wait3A_69] : memref<128x128xf32, #tpu.memory_space<vmem>> -> memref<64x128xf32, #tpu.memory_space<vmem>>
    tpu.wait_dma2 semaphore(%arg11 : memref<!tpu.dma_semaphore, #tpu.memory_space<semaphore_mem>>) src(%dma_wait3A_70 : memref<64x128xf32, #tpu.memory_space<vmem>>) dst(%dma_wait3A_67 : memref<64x128xf32, #tpu.memory_space<hbm>>)
    %dma_wait3A_71 = arith.constant 64 : i32
    %dma_wait3A_72 = arith.constant 0 : i32
    %dma_wait3A_73 = tpu.memref_slice %arg8[%dma_wait3A_71, %dma_wait3A_72] : memref<128x128xf32, #tpu.memory_space<vmem>> -> memref<64x128xf32, #tpu.memory_space<vmem>>
    %dma_wait3A_74 = arith.constant 0 : i32
    %dma_wait3A_75 = tpu.memref_slice %arg5[%add3A_50, %dma_wait3A_74] : memref<4096x128xf32, #tpu.memory_space<hbm>> -> memref<64x128xf32, #tpu.memory_space<hbm>>
    %dma_wait3A_76 = arith.constant 0 : i32
    %dma_wait3A_77 = tpu.memref_slice %arg5[%add3A_50, %dma_wait3A_76] : memref<4096x128xf32, #tpu.memory_space<hbm>> -> memref<64x128xf32, #tpu.memory_space<hbm>>
    %dma_wait3A_78 = arith.constant 64 : i32
    %dma_wait3A_79 = arith.constant 0 : i32
    %dma_wait3A_80 = tpu.memref_slice %arg8[%dma_wait3A_78, %dma_wait3A_79] : memref<128x128xf32, #tpu.memory_space<vmem>> -> memref<64x128xf32, #tpu.memory_space<vmem>>
    tpu.wait_dma2 semaphore(%arg11 : memref<!tpu.dma_semaphore, #tpu.memory_space<semaphore_mem>>) src(%dma_wait3A_80 : memref<64x128xf32, #tpu.memory_space<vmem>>) dst(%dma_wait3A_77 : memref<64x128xf32, #tpu.memory_space<hbm>>)
    return
  }
}

</mosaic_0001>

<sc_bundles>
// kernel: kernel.3.cloned.1.call-start
scs
__scs_entry_jumppad:
0x0: {  	(pc) =	sbr.rel $0x88, $3  }
0x1: {  	(tag) =	ssettag $0x0;
	lr =	simm.s32 $0x1  }
0x2: {  	[smem:$0x3F9E] =	sst lr;
	_ =	strace $0xD0000000  }
0x3: {  	_ = 	snop  }
0x4: {  	_ = 	snop  }
0x5: {  	_ = 	snop  }
0x6: {  	_ = 	snop  }
0x7: {  	_ = 	snop  }
__scs_overlays_trampoline_lowered:
0x8: {  	[smem:$0x3FAD] =	sst s0  }
0x9: {  	[smem:$0x3FAE] =	sst s1  }
0xa: {  	[smem:$0x3FAF] =	sst s2  }
0xb: {  	[smem:$0x3FB0] =	sst s3  }
0xc: {  	[smem:$0x3FB1] =	sst s4  }
0xd: {  	[smem:$0x3FB2] =	sst s5  }
0xe: {  	[smem:$0x3FB3] =	sst s6  }
0xf: {  	[smem:$0x3FB4] =	sst s7  }
0x10: {  	[smem:$0x3FB5] =	sst s8  }
0x11: {  	[smem:$0x3FB6] =	sst s9;
	s0 =	simm.s32 @!p0 $0x0  }
0x12: {  	s1 =	sld [smem:$0x3F9C];
	s0 =	simm.s32 @p0 $0x1  }
0x13: {  	[smem:$0x3FB7] =	sst s0;
	s0 =	simm.s32 @!p1 $0x0  }
0x14: {  	s2 =	sld [smem:$0x3F9B];
	s0 =	simm.s32 @p1 $0x1  }
0x15: {  	[smem:$0x3FB8] =	sst s0;
	s0 =	simm.s32 @!p2 $0x0  }
0x16: {  	s3 =	sld [smem:$0x3FDB];
	s0 =	simm.s32 @p2 $0x1  }
0x17: {  	s4 =	simm.s32 $0x1BF5;
	[smem:$0x3FBA] =	sst s0  }
0x18: {  	s0 =	sld [smem:$0x3F9D];
	_ =	swait.ge [sflag:s4], $0x0  }
0x19: {  	s7 =	sld [smem:$0x3F9E]  }
0x1a: {  	s8 =	sadd.s32 $0xFFFFE003, lr  }
0x1b: {  	s9 =	sadd.s32 $0xFFFFFEF7, lr;
	s5 =	simm.s32 $0xFFFFFFFF;
	p2 =	slt.u32 s8, $0xFFFFF086  }
0x1c: {  	p1 =	slt.u32 s9, $0xF7A;
	s5 =	simm.s32 @!p2 $0x0  }
0x1d: {  	s5 =	simm.s32 @p1 $0x1;
	p0 =	seq.s32 s7, s2  }
0x1e: {  	s7 =	smul.u32 @!p0 $0xF7A, s2;
	p2 =	seq.s32 @!p0 s5, $0x0  }
0x1f: {  	s9 =	smul.u32 $0xF7A, s1;
	s8 =	simm.s32 @!p0 $0x1BF5;
	p2 =	por !p2, p0  }
0x20: {  	[sflag:s8] =	ssyncset.s32 @!p0 $0xFFFFF086;
	s6 =	sadd.s32 @!p0 s3, s7;
	s7 =	simm.s32 @!p0 $0x108  }
0x21: {  	s3 =	sadd.s32 s3, s9;
	s6 =	sadd.s32 @!p0 $0x88, s6;
	s7 =	simm.s32 @p2 $0x1082  }
0x22: {  	[simem:s7], [sflag:s8] =	dma.local @!p0 [hbm:s6], $0xF7A  }
0x23: {  	s9 =	sor.u32 $0xD0000000, s2;
	s6 =	simm.s32 $0x108;
	_ =	swait.ge @!p0 [sflag:s8], $0x0  }
0x24: {  	s3 =	sadd.s32 $0x88, s3;
	s6 =	simm.s32 @!p1 $0x1082;
	[sflag:s4] =	ssyncset.s32 $0xFFFFF086  }
0x25: {  	[simem:s6], [sflag:s4] =	dma.local [hbm:s3], $0xF7A  }
0x26: {  	[smem:$0x3F9E] =	sst s1;
	(tag) =	ssettag s2;
	_ =	strace s9  }
0x27: {  	s1 =	sld [smem:$0x3FAE]  }
0x28: {  	s2 =	sld [smem:$0x3FAF]  }
0x29: {  	s4 =	sld [smem:$0x3FB1]  }
0x2a: {  	p0 =	seq.s32 s5, $0x0;
	s5 =	sld [smem:$0x3FB2]  }
0x2b: {  	s6 =	sld [smem:$0x3FB3]  }
0x2c: {  	s7 =	sld [smem:$0x3FB4]  }
0x2d: {  	s3 =	simm.s32 $0x108;
	s8 =	sld [smem:$0x3FB5]  }
0x2e: {  	s3 =	simm.s32 @!p0 $0x1082;
	s9 =	sld [smem:$0x3FB6]  }
0x2f: {  	lr =	sadd.s32 s0, s3;
	s0 =	sld [smem:$0x3FAD]  }
0x30: {  	s3 =	sld [smem:$0x3FB0]  }
0x31: {  	[smem:$0x3FB9] =	sst s10  }
0x32: {  	s10 =	sld [smem:$0x3FB7];
	_ =	sdelay $0x3  }
0x33: {  	p0 =	seq.s32 s10, $0x1;
	s10 =	sld [smem:$0x3FB9];
	_ =	sdelay $0x3  }
0x34: {  	[smem:$0x3FB9] =	sst s10  }
0x35: {  	s10 =	sld [smem:$0x3FB8];
	_ =	sdelay $0x3  }
0x36: {  	p1 =	seq.s32 s10, $0x1;
	s10 =	sld [smem:$0x3FB9];
	_ =	sdelay $0x3  }
0x37: {  	[smem:$0x3FB9] =	sst s10  }
0x38: {  	s10 =	sld [smem:$0x3FBA]  }
0x39: {  	_ = 	snop;
	(pc) =	sbr.ind lr, $3  }
0x3a: {  	_ = 	snop  }
0x3b: {  	_ = 	snop  }
0x3c: {  	p2 =	seq.s32 s10, $0x1;
	s10 =	sld [smem:$0x3FB9]  }
0x3d: {  	_ =	shalt  }
0x3e: {  	_ =	shalt  }
0x3f: {  	_ =	shalt  }
0x40: {  	_ =	shalt  }
0x41: {  	_ =	shalt  }
0x42: {  	_ =	shalt  }
0x43: {  	_ =	shalt  }
0x44: {  	_ =	shalt  }
0x45: {  	_ =	shalt  }
0x46: {  	_ =	shalt  }
0x47: {  	_ =	shalt  }
0x48: {  	_ =	shalt  }
0x49: {  	_ =	shalt  }
0x4a: {  	_ =	shalt  }
0x4b: {  	_ =	shalt  }
0x4c: {  	_ =	shalt  }
0x4d: {  	_ =	shalt  }
0x4e: {  	_ =	shalt  }
0x4f: {  	_ =	shalt  }
0x50: {  	_ =	shalt  }
0x51: {  	_ =	shalt  }
0x52: {  	_ =	shalt  }
0x53: {  	_ =	shalt  }
0x54: {  	_ =	shalt  }
0x55: {  	_ =	shalt  }
0x56: {  	_ =	shalt  }
0x57: {  	_ =	shalt  }
0x58: {  	_ =	shalt  }
0x59: {  	_ =	shalt  }
0x5a: {  	_ =	shalt  }
0x5b: {  	_ =	shalt  }
0x5c: {  	_ =	shalt  }
0x5d: {  	_ =	shalt  }
0x5e: {  	_ =	shalt  }
0x5f: {  	_ =	shalt  }
0x60: {  	_ =	shalt  }
0x61: {  	_ =	shalt  }
0x62: {  	_ =	shalt  }
0x63: {  	_ =	shalt  }
0x64: {  	_ =	shalt  }
0x65: {  	_ =	shalt  }
0x66: {  	_ =	shalt  }
0x67: {  	_ =	shalt  }
0x68: {  	_ =	shalt  }
0x69: {  	_ =	shalt  }
0x6a: {  	_ =	shalt  }
0x6b: {  	_ =	shalt  }
0x6c: {  	_ =	shalt  }
0x6d: {  	_ =	shalt  }
0x6e: {  	_ =	shalt  }
0x6f: {  	_ =	shalt  }
0x70: {  	_ =	shalt  }
0x71: {  	_ =	shalt  }
0x72: {  	_ =	shalt  }
0x73: {  	_ =	shalt  }
0x74: {  	_ =	shalt  }
0x75: {  	_ =	shalt  }
0x76: {  	_ =	shalt  }
0x77: {  	_ =	shalt  }
0x78: {  	_ =	shalt  }
0x79: {  	_ =	shalt  }
0x7a: {  	_ =	shalt  }
0x7b: {  	_ =	shalt  }
0x7c: {  	_ =	shalt  }
0x7d: {  	_ =	shalt  }
0x7e: {  	_ =	shalt  }
0x7f: {  	_ =	shalt  }
0x80: {  	_ =	shalt  }
0x81: {  	_ =	shalt  }
0x82: {  	_ =	shalt  }
0x83: {  	_ =	shalt  }
0x84: {  	_ =	shalt  }
0x85: {  	_ =	shalt  }
0x86: {  	_ =	shalt  }
0x87: {  	_ =	shalt  }
.Lfunc_end0:
.L_simem_size_0:
called_computation_lowered:
.L_overlay_start_0:
0x88: {  	s2 =	sld [smem:$0x3FD9]  }
0x89: {  	s3 =	sld [smem:$0x3FFE];
	_ =	sdelay $0x1  }
0x8a: {  	s1 =	srdreg.scid  }
0x8b: {  	s0 =	sand.u32 $0x1, s1  }
0x8c: {  	s18 =	sshll.u32 s0, $0xA;
	s2 =	sadd.s32 s3, s2  }
0x8d: {  	s2 =	sadd.s32 s2, s18  }
0x8e: {  	[smem:$0x3FC5] =	sst s2  }
0x8f: {  	_ = 	snop  }
0x90: {  	s2 =	sld [smem:$0x3FC9]  }
0x91: {  	s19 =	sld [smem:$0x3FC8]  }
0x92: {  	s4 =	sld [smem:$0x3FC7]  }
0x93: {  	s5 =	sld [smem:$0x3FD0];
	(tm) =	ssettm $0x1  }
0x94: {  	s6 =	sld [smem:$0x3FFB];
	_ =	sdelay $0x3  }
0x95: {  	_ =	strace s6  }
0x96: {  	s6 =	sld [smem:$0x3FFC];
	_ =	sdelay $0x3  }
0x97: {  	_ =	strace s6  }
0x98: {  	s6 =	sld [smem:$0x3FFD];
	_ =	sdelay $0x3  }
0x99: {  	_ =	strace s6  }
0x9a: {  	_ =	strace $0x8FFFFFFF  }
0x9b: {  	s20 =	sld [smem:$0x3FDB];
	_ =	sdelay $0x1  }
0x9c: {  	s7 =	simm.s32 $_scs_section_size  }
0x9d: {  	s8 =	simm.s32 $_size__tile_overlayer_lowered;
	s9 =	simm.s32 $_tile_overlayer_lowered  }
0x9e: {  	s23 =	simm.s32 $0x1BFF;
	s22 =	sshll.u32 s9, $0x1;
	s6 =	sadd.s32 s7, s20  }
0x9f: {  	s10 =	simm.s32 $0x0;
	s21 =	sshll.u32 s8, $0x1;
	s8 =	sadd.s32 s22, s6  }
0xa0: {  	[timem:s10], [sflag:s23] =	dma.local [hbm:s8], s21  }
0xa1: {  	_ =	swait.ge [sflag:s23], s21  }
0xa2: {  	s7 =	ssub.s32 $0x0, s21;
	[sflag:s23] =	ssyncset.done $0x0  }
0xa3: {  	[sflag:s23] =	ssyncadd.s32 s7;
	_ =	sdelay $0x1  }
0xa4: {  	s24 =	simm.s32 $0x1B8B  }
0xa5: {  	_ =	swait.ge [sflag:s24], $0x1  }
0xa6: {  	[sflag:s24] =	ssyncset.done $0x0  }
0xa7: {  	s25 =	simm.s32 $0x1B8E;
	[sflag:s24] =	ssyncadd.s32 $0xFFFFFFFF  }
0xa8: {  	s26 =	simm.s32 $execute0_lowered;
	[smem:$0x3FD2] =	sst s25  }
0xa9: {  	s7 =	sshll.u32 s26, $0x1;
	_ =	strace $0x80000046;
	[dreg:$0x1] =	wrdreg $0xFFFFFFFF  }
0xaa: {  	s28 =	simm.s32 $_size_execute0_lowered;
	s6 =	sadd.s32 s6, s7;
	[dreg:$0x0] =	wrdreg $0x0  }
0xab: {  	s7 =	sshll.u32 s28, $0x1;
	[dreg:$0x2] =	wrdreg s6  }
0xac: {  	[dreg:$0x3] =	wrdreg s7  }
0xad: {  	[dreg:$0x4] =	wrdreg $0xC0  }
0xae: {  	_ =	task [dreg:s10], $0x5FFFF  }
0xaf: {  	[dreg:$0x1] =	wrdreg $0xFFFFFFFF  }
0xb0: {  	[dreg:$0x0] =	wrdreg $0x60  }
0xb1: {  	[dreg:$0x2] =	wrdreg s2  }
0xb2: {  	[dreg:$0x3] =	wrdreg s19  }
0xb3: {  	[dreg:$0x4] =	wrdreg s4  }
0xb4: {  	[dreg:$0x5] =	wrdreg s5  }
0xb5: {  	[dreg:$0x6] =	wrdreg $0x9  }
0xb6: {  	_ =	task.clear_ibuf [dreg:s10], $0x7FFFF;
	_ =	strace $0x90000046  }
0xb7: {  	s29 =	simm.s32 $0x9;
	_ =	strace $0x80000048  }
0xb8: {  	_ =	swait.ge [sflag:s29], $0x1  }
0xb9: {  	[sflag:s29] =	ssyncadd.s32 $0xFFFFFFFF  }
0xba: {  	_ =	strace $0x90000048  }
0xbb: {  	_ =	sfence  }
0xbc: {  	s30 =	sld [smem:$0x0];
	_ =	sdelay $0x2  }
0xbd: {  	s31 =	sshll.u32 s1, $0xD;
	s1 =	sshrl.u32 s1, $0x2  }
0xbe: {  	s3 =	sand.u32 $0x4000, s31;
	s1 =	sadd.s32 s1, s30  }
0xbf: {  	s0 =	sor.u32 s3, s0;
	s1 =	sshll.u32 s1, $0x11  }
0xc0: {  	s0 =	sor.u32 s1, s0  }
0xc1: {  	s0 =	sadd.s32 $0x8F2B, s0  }
0xc2: {  	[sflag:s0] =	ssyncadd.remote.s32 $0x1  }
0xc3: {  	_ =	sfence.sel $0xFFFF  }
0xc4: {  	[dreg:$0x0] =	wrdreg $0xFFFFFFFF;
	(pc) =	sbr.abs _section_cstart, $3  }
0xc5: {  	[dreg:$0x1] =	wrdreg $0xFFFFFFFF  }
0xc6: {  	_ =	task.clear_ibuf [dreg:s10], $0x2FFFF;
	_ =	strace $0x9FFFFFFF  }
0xc7: {  	(tm) =	ssettm $0x7FFFFFFF  }
tec
execute0_lowered:
.L_overlay_start_1:
0x0: {  	(tag) =	ssettag $0x1  }
0x1: {  	s1 =	rddreg [dreg:$0x0]  }
0x2: {  	s2 =	rddreg [dreg:$0x1];
	s3 =	srdreg.scid  }
0x3: {  	s5 =	rddreg [dreg:$0x2];
	s0 =	stileid.u32;
	s15 =	sand.u32 $0x1, s3  }
0x4: {  	s14 =	rddreg [dreg:$0x3];
	s6 =	sshll.u32 s0, $0x8;
	s7 =	sshll.u32 s15, $0x7  }
0x5: {  	s4 =	simm.s32 $0x0;
	s3 =	rddreg [dreg:$0x4];
	s16 =	sor.u32 s7, s6  }
0x6: {  	[smem:$0x7FF] =	sst s4;
	s6 =	sshrl.u32 s16, $0x3  }
0x7: {  	_ =	strace $0x80000047;
	s5 =	sadd.s32 s5, s6;
	s6 =	simm.s32 $0x4  }
0x8: {  	[tilespmem:s4], [sflag:$0x4] =	stream.linear.gather [hbm4b:s5+s4], $0x80, $0x38;
	[tilespmem:$0x4100] =	vst v63  }
0x9: {  	_ =	swait.ge [sflag:s6], $0x80  }
0xa: {  	[sflag:s6] =	ssyncset.done $0x0  }
0xb: {  	s8 =	simm.s32 $0x1;
	s7 =	simm.s32 $0x80;
	[sflag:s6] =	ssyncadd.s32 $0xFFFFFF80  }
0xc: {  	[tilespmem:s7], [sflag:$0x1] =	stream.indirect.gather [hbm4b:s2+s7], $0x1, s4, s7, $0xb8;
	[tilespmem:$0x4100] =	vst v63  }
0xd: {  	_ =	swait.ge [sflag:s8], $0x80  }
0xe: {  	[sflag:s8] =	ssyncset.done $0x0  }
0xf: {  	s9 =	simm.s32 $0x40;
	s10 =	simm.s32 $0x100;
	[sflag:s8] =	ssyncadd.s32 $0xFFFFFF80  }
0x10: {  	[tilespmem:s10], [sflag:$0x2] =	stream.indirect.gather [hbm4b:s1+s9], $0x80, s7, s9, $0xb8;
	[tilespmem:$0x4100] =	vst v63  }
0x11: {  	s11 =	simm.s32 $0xC0;
	s12 =	simm.s32 $0x2100;
	s13 =	simm.s32 $0x2  }
0x12: {  	[tilespmem:s12], [sflag:$0x2] =	stream.indirect.gather [hbm4b:s1+s9], $0x80, s11, s9, $0xb8;
	[tilespmem:$0x4100] =	vst v63  }
0x13: {  	_ =	swait.ge [sflag:s13], $0x2000  }
0x14: {  	s17 =	ssub.s32 $0x2, s15;
	s16 =	sshll.u32 s16, $0x4;
	[sflag:s13] =	ssyncset.done $0x0  }
0x15: {  	s18 =	sshrl.u32 s17, $0x1;
	s14 =	sadd.s32 s14, s16;
	[sflag:s13] =	ssyncadd.s32 $0xFFFFE000  }
0x16: {  	[hbm4b:s14+s4] =	stream.linear.scatter [tilespmem:s10], [sflag:$0x3], $0x2000, $0x38;
	[tilespmem:$0x4100] =	vst v63  }
0x17: {  	s17 =	ssub.s32 s17, s18;
	_ =	swait.ge [sflag:s13], $0x2000  }
0x18: {  	s15 =	simm.s32 $0x3;
	s17 =	smax.u32 s17, $0x1;
	[sflag:s13] =	ssyncset.done $0x0  }
0x19: {  	s16 =	sadd.s32 $0x400, s14;
	p0 =	sne.s32 s17, $0x1;
	[sflag:s13] =	ssyncadd.s32 $0xFFFFE000  }
0x1a: {  	[hbm4b:s16+s4] =	stream.linear.scatter [tilespmem:s12], [sflag:$0x3], $0x2000, $0x38;
	[tilespmem:$0x4100] =	vst v63  }
.Ltmp0:
0x1b: {  	_ =	swait.ge [sflag:s15], $0x2000;
	(pc) =	sbr.rel @!p0 .LBB2_2-.Ltmp0, $4  }
0x1c: {  	[sflag:s15] =	ssyncset.done $0x0  }
0x1d: {  	[sflag:s15] =	ssyncadd.s32 $0xFFFFE000  }
0x1e: {  	_ =	swait.ge [sflag:s15], $0x2000  }
0x1f: {  	s17 =	sadd.s32 $0xFFFFFFFF, s17;
	[sflag:s15] =	ssyncset.done $0x0  }
.LBB2_1:
0x20: {  	p0 =	sne.s32 s17, $0x1;
	s17 =	sadd.s32 $0xFFFFFFFF, s17;
	[sflag:s15] =	ssyncadd.s32 $0xFFFFE000  }
0x21: {  	[tilespmem:s4], [sflag:$0x4] =	stream.linear.gather [hbm4b:s5+s4], $0x80, $0x38;
	[tilespmem:$0x4100] =	vst v63  }
0x22: {  	_ =	swait.ge [sflag:s6], $0x80  }
0x23: {  	[sflag:s6] =	ssyncset.done $0x0  }
0x24: {  	[sflag:s6] =	ssyncadd.s32 $0xFFFFFF80  }
0x25: {  	[tilespmem:s7], [sflag:$0x1] =	stream.indirect.gather [hbm4b:s2+s7], $0x1, s4, s7, $0xb8;
	[tilespmem:$0x4100] =	vst v63  }
0x26: {  	_ =	swait.ge [sflag:s8], $0x80  }
0x27: {  	[sflag:s8] =	ssyncset.done $0x0  }
0x28: {  	[sflag:s8] =	ssyncadd.s32 $0xFFFFFF80  }
0x29: {  	[tilespmem:s10], [sflag:$0x2] =	stream.indirect.gather [hbm4b:s1+s9], $0x80, s7, s9, $0xb8;
	[tilespmem:$0x4100] =	vst v63  }
0x2a: {  	_ = 	snop  }
0x2b: {  	[tilespmem:s12], [sflag:$0x2] =	stream.indirect.gather [hbm4b:s1+s9], $0x80, s11, s9, $0xb8;
	[tilespmem:$0x4100] =	vst v63  }
0x2c: {  	_ =	swait.ge [sflag:s13], $0x2000  }
0x2d: {  	[sflag:s13] =	ssyncset.done $0x0  }
0x2e: {  	[sflag:s13] =	ssyncadd.s32 $0xFFFFE000  }
0x2f: {  	[hbm4b:s14+s4] =	stream.linear.scatter [tilespmem:s10], [sflag:$0x3], $0x2000, $0x38;
	[tilespmem:$0x4100] =	vst v63  }
0x30: {  	_ =	swait.ge [sflag:s13], $0x2000  }
0x31: {  	[sflag:s13] =	ssyncset.done $0x0  }
0x32: {  	[sflag:s13] =	ssyncadd.s32 $0xFFFFE000  }
0x33: {  	[hbm4b:s16+s4] =	stream.linear.scatter [tilespmem:s12], [sflag:$0x3], $0x2000, $0x38;
	[tilespmem:$0x4100] =	vst v63  }
.Ltmp1:
0x34: {  	_ =	swait.ge [sflag:s15], $0x2000;
	(pc) =	sbr.rel @p0 .LBB2_1-.Ltmp1, $4  }
0x35: {  	[sflag:s15] =	ssyncset.done $0x0  }
0x36: {  	[sflag:s15] =	ssyncadd.s32 $0xFFFFE000  }
0x37: {  	_ =	swait.ge [sflag:s15], $0x2000  }
0x38: {  	[sflag:s15] =	ssyncset.done $0x0  }
.LBB2_2:
0x39: {  	[sflag:s15] =	ssyncadd.s32 $0xFFFFE000  }
0x3a: {  	_ =	sfence.sel $0x180000  }
0x3b: {  	[bflag:$0x0] =	sbarrier.arrive $0xFFFF  }
0x3c: {  	p0 =	sne.s32 s0, $0x0;
	_ =	strace $0x90000047  }
0x3d: {  	s0 =	sadd.s32 @!p0 $0x100000, s3;
	[bflag:$0x2] =	sbarrier.arrive $0xFFFF  }
0x3e: {  	[sflag:s0] =	ssyncadd.tile.s32 @!p0 $0x1;
	_ =	shalt  }
.Lfunc_end2:
_tile_overlayer_lowered:
.L_overlay_start_2:
0x3f: {  	(tag) =	ssettag $0x2  }
0x40: {  	s0 =	rddreg [dreg:$0x0];
	s2 =	stileid.u32  }
0x41: {  	s1 =	rddreg [dreg:$0x1];
	p0 =	sne.s32 s2, $0x0  }
0x42: {  	s3 =	rddreg [dreg:$0x2];
	[bflag:$0x3] =	sbarrier.arrive $0xFFFF;
	s2 =	simm.s32 @!p0 $0x1C04  }
0x43: {  	[timem:s3], [sflag:s2] =	dma.local @!p0 [hbm:s0], s1  }
0x44: {  	s0 =	simm.s32 @!p0 $0x4  }
0x45: {  	_ =	swait.ge @!p0 [sflag:s0], s1  }
0x46: {  	s1 =	ssub.s32 @!p0 $0x0, s1;
	[sflag:s0] =	ssyncset.done @!p0 $0x0  }
0x47: {  	[sflag:s0] =	ssyncadd.s32 @!p0 s1  }
0x48: {  	[bflag:$0x3] =	sbarrier.arrive $0xFFFF  }
0x49: {  	_ =	shalt  }

</sc_bundles>
